<compile_context>
chip_gen: v7x
topology: tpu7x:2x2x1
jax: 0.10.2.dev20260603
libtpu: 0.0.44.dev20260713+nightly
codegen_flags: <defaults>
</compile_context>

<pallas_src>
import jax
import jax.numpy as jnp
from jax import lax
from jax.experimental import pallas as pl
from jax.experimental.pallas import tpu as pltpu
from jax.experimental.pallas import tpu_sc as plsc

B = 16
MAX_NODES = 2048
NUM_RULES = 512
NUM_COND = 8192
FLAT = MAX_NODES * NUM_RULES

NC = 2
NS = 16
NW = NC * NS
E_PER_W = FLAT // NW
NODES_PER_W = E_PER_W // NUM_RULES
ECHUNK = 1024
NODES_PER_CHUNK = ECHUNK // NUM_RULES
PAIRS = NODES_PER_CHUNK * B
NCHUNK = E_PER_W // ECHUNK
LANES = 16
NSLICE = NUM_RULES // LANES
NEG = jnp.float32(-100000.0)


def _sc_body(cond_hbm, maskx_hbm, priors_hbm, unc_hbm, table_hbm, out_hbm,
             idx_v, mskx_v, unc_v, rows_v, prior_v, out_v,
             gsem0, gsem1, psem0, psem1, osem0, osem1):
    wid = lax.axis_index("s") * NC + lax.axis_index("c")
    e0 = wid * E_PER_W
    gsem = (gsem0, gsem1)
    psem = (psem0, psem1)
    osem = (osem0, osem1)

    pltpu.sync_copy(cond_hbm.at[pl.ds(wid * NODES_PER_W * B, NODES_PER_W * B)],
                    idx_v)
    pltpu.sync_copy(
        maskx_hbm.at[pl.ds(wid * NODES_PER_W * B * LANES,
                           NODES_PER_W * B * LANES)], mskx_v)
    pltpu.sync_copy(unc_hbm, unc_v)

    def issue_in(c, b):
        pltpu.async_copy(table_hbm.at[idx_v.at[pl.ds(c * PAIRS, PAIRS)]],
                         rows_v.at[b], gsem[b])
        pltpu.async_copy(
            priors_hbm.at[pl.ds(0, B), pl.ds(e0 + c * ECHUNK, ECHUNK)],
            prior_v.at[b], psem[b])

    def wait_in(c, b):
        pltpu.make_async_copy(table_hbm.at[idx_v.at[pl.ds(c * PAIRS, PAIRS)]],
                              rows_v.at[b], gsem[b]).wait()
        pltpu.make_async_copy(
            priors_hbm.at[pl.ds(0, B), pl.ds(e0 + c * ECHUNK, ECHUNK)],
            prior_v.at[b], psem[b]).wait()

    def out_copy(c, b):
        return pltpu.make_async_copy(
            prior_v.at[b],
            out_hbm.at[pl.ds(0, B), pl.ds(e0 + c * ECHUNK, ECHUNK)], osem[b])

    def compute_chunk(c, buf):
        rows = rows_v.at[buf]
        prior = prior_v.at[buf]
        out = out_v.at[buf]
        for nl in range(NODES_PER_CHUNK):

            @plsc.parallel_loop(0, B, unroll=2)
            def pair_body(bb):
                p = nl * B + bb
                mv = mskx_v[pl.ds((c * PAIRS + p) * LANES, LANES)]
                moff = (jnp.float32(1.0) - mv) * NEG
                for j in range(NSLICE):
                    sl = pl.ds(j * LANES, LANES)
                    osl = pl.ds(nl * NUM_RULES + j * LANES, LANES)
                    out[bb, osl] = (mv * (unc_v[sl] + rows[p, sl]) + moff
                                    + prior[bb, osl])

    issue_in(0, 0)

    def outer(c0, carry):
        for b in range(2):
            c = c0 * 2 + b
            nb = 1 - b

            @pl.when(c + 1 < NCHUNK)
            def _():
                issue_in(c + 1, nb)

            wait_in(c, b)

            @pl.when(c >= 2)
            def _():
                out_copy(c - 2, b).wait()

            out_copy(c, b).start()
        return carry

    lax.fori_loop(0, NCHUNK // 2, outer, 0, unroll=False)
    out_copy(NCHUNK - 2, 0).wait()
    out_copy(NCHUNK - 1, 1).wait()


@jax.jit
def _sc_call(cond_flat, maskx, priors, unconditionals, conditionals):
    mesh = plsc.VectorSubcoreMesh(core_axis_name="c", subcore_axis_name="s")
    kfn = pl.kernel(
        _sc_body,
        mesh=mesh,
        out_type=jax.ShapeDtypeStruct((B, FLAT), jnp.float32),
        scratch_types=[
            pltpu.VMEM((NODES_PER_W * B,), jnp.int32),
            pltpu.VMEM((NODES_PER_W * B * LANES,), jnp.float32),
            pltpu.VMEM((NUM_RULES,), jnp.float32),
            pltpu.VMEM((2, PAIRS, NUM_RULES), jnp.float32),
            pltpu.VMEM((2, B, ECHUNK), jnp.float32),
            pltpu.VMEM((2, B, ECHUNK), jnp.float32),
            pltpu.SemaphoreType.DMA,
            pltpu.SemaphoreType.DMA,
            pltpu.SemaphoreType.DMA,
            pltpu.SemaphoreType.DMA,
            pltpu.SemaphoreType.DMA,
            pltpu.SemaphoreType.DMA,
        ],
    )
    return kfn(cond_flat, maskx, priors, unconditionals, conditionals)


def kernel(cond_inds, node_mask, full_logit_priors, unconditionals, conditionals):
    cond_flat = cond_inds.T.reshape(-1)
    maskx = jnp.broadcast_to(
        node_mask.T.astype(jnp.float32).reshape(B * MAX_NODES, 1),
        (B * MAX_NODES, LANES)).reshape(-1)
    out = _sc_call(cond_flat, maskx, full_logit_priors, unconditionals,
                   conditionals)
    return out, full_logit_priors

# --- scband reference (transcript-rebuilt; emitter-appended) ---
"""Pipeline reference for scband-conditional-model-blended-47442208751618 (READ-ONLY COPY).

The authoritative reference and input builder live on the scoring server;
editing this copy changes nothing except your own understanding.
"""

import jax, jax.numpy as jnp
import numpy as np

B = 16
MAX_NODES = 2048
NUM_RULES = 512
NUM_COND = 8192


def setup_inputs(seed: int = 0) -> dict:
    key = jax.random.key(seed)
    k1, k2, k3, k4, k5 = jax.random.split(key, 5)
    # Per-node condition index (which (rule_id, node_index) conditional row applies).
    cond_inds = jax.random.randint(k1, (B, MAX_NODES), 0, NUM_COND, dtype=jnp.int32)
    # Ragged validity mask: which nodes of each graph are expandable child nodes.
    node_mask = jax.random.randint(k2, (B, MAX_NODES), 0, 2, dtype=jnp.int32) > 0
    # Flattened logit priors over (node, rule) actions.
    full_logit_priors = jax.random.normal(k3, (B, MAX_NODES * NUM_RULES), dtype=jnp.float32)
    # Learned parameters sized per init_kwargs.
    unconditionals = jax.random.normal(k4, (NUM_RULES,), dtype=jnp.float32) * 0.02
    conditionals = jax.random.normal(k5, (NUM_COND, NUM_RULES), dtype=jnp.float32) * 0.02
    return {
        "cond_inds": cond_inds,
        "node_mask": node_mask,
        "full_logit_priors": full_logit_priors,
        "unconditionals": unconditionals,
        "conditionals": conditionals,
    }


def reference(cond_inds, node_mask, full_logit_priors, unconditionals, conditionals):
    # conditional_logits: out[n] = unconditionals + conditionals[cond_ind(n)] for active nodes,
    # -100000.0 for inactive (padding / non-child) node slots.
    gathered = jnp.take(conditionals, cond_inds, axis=0)  # [B, MAX_NODES, NUM_RULES]
    logits = unconditionals[None, None, :] + gathered
    action_logits = jnp.where(node_mask[..., None], logits, jnp.float32(-100000.0))
    # handle_priors: flatten to [B, MAX_NODES * NUM_RULES] and add priors.
    next_logits = action_logits.reshape(action_logits.shape[0], -1)
    masked_policy_logits = next_logits + full_logit_priors
    used_priors = full_logit_priors
    return masked_policy_logits, used_priors

if __name__ == "__main__":
    import jax
    _d = setup_inputs()
    print(jax.jit(kernel)(*tuple(_d.values())))

</pallas_src>

<mosaic_0001>
#map = affine_map<(d0, d1) -> (0)>
#map1 = affine_map<(d0, d1) -> (0, 0)>
module attributes {stable_mosaic.version = 14 : i64} {
  func.func @_sc_body(%arg0: i32, %arg1: i32, %arg2: memref<32768xi32, #tpu.memory_space<hbm>>, %arg3: memref<524288xf32, #tpu.memory_space<hbm>>, %arg4: memref<16x1048576xf32, #tpu.memory_space<hbm>>, %arg5: memref<512xf32, #tpu.memory_space<hbm>>, %arg6: memref<8192x512xf32, #tpu.memory_space<hbm>>, %arg7: memref<16x1048576xf32, #tpu.memory_space<hbm>>, %arg8: memref<1024xi32, #tpu.memory_space<vmem>>, %arg9: memref<16384xf32, #tpu.memory_space<vmem>>, %arg10: memref<512xf32, #tpu.memory_space<vmem>>, %arg11: memref<2x32x512xf32, #tpu.memory_space<vmem>>, %arg12: memref<2x16x1024xf32, #tpu.memory_space<vmem>>, %arg13: memref<2x16x1024xf32, #tpu.memory_space<vmem>>, %arg14: memref<!tpu.dma_semaphore, #tpu.memory_space<semaphore_mem>>, %arg15: memref<!tpu.dma_semaphore, #tpu.memory_space<semaphore_mem>>, %arg16: memref<!tpu.dma_semaphore, #tpu.memory_space<semaphore_mem>>, %arg17: memref<!tpu.dma_semaphore, #tpu.memory_space<semaphore_mem>>, %arg18: memref<!tpu.dma_semaphore, #tpu.memory_space<semaphore_mem>>, %arg19: memref<!tpu.dma_semaphore, #tpu.memory_space<semaphore_mem>>) attributes {dimension_semantics = [#tpu.dimension_semantics<core_parallel>, #tpu.dimension_semantics<subcore_parallel>], iteration_bounds = array<i64: 2, 16>, scalar_prefetch = 0 : i64, scratch_operands = 12 : i64, tpu.core_type = #tpu.core_type<sc_vector_subcore>, window_params = [{transform_indices = #map}, {transform_indices = #map}, {transform_indices = #map1}, {transform_indices = #map}, {transform_indices = #map1}, {transform_indices = #map1}]} {
    %mul3A = arith.constant 2 : i32
    %mul3A_0 = arith.muli %arg1, %mul3A : i32
    %add3A = arith.addi %mul3A_0, %arg0 : i32
    %mul3A_1 = arith.constant 32768 : i32
    %mul3A_2 = arith.muli %add3A, %mul3A_1 : i32
    %mul3A_3 = arith.constant 64 : i32
    %mul3A_4 = arith.muli %add3A, %mul3A_3 : i32
    %mul3A_5 = arith.constant 16 : i32
    %mul3A_6 = arith.muli %mul3A_4, %mul3A_5 : i32
    "tpu.region"() ({
      %run_scoped3A = tpu.sem_alloc : memref<!tpu.dma_semaphore, #tpu.memory_space<semaphore_mem>>
      %dma_start3A_71 = tpu.memref_slice %arg2[%mul3A_6] : memref<32768xi32, #tpu.memory_space<hbm>> -> memref<1024xi32, #tpu.memory_space<hbm>>
      %dma_start3A_72 = tpu.memref_slice %arg2[%mul3A_6] : memref<32768xi32, #tpu.memory_space<hbm>> -> memref<1024xi32, #tpu.memory_space<hbm>>
      tpu.enqueue_dma source(%dma_start3A_72 : memref<1024xi32, #tpu.memory_space<hbm>>) target(%arg8 : memref<1024xi32, #tpu.memory_space<vmem>>) target_semaphore(%run_scoped3A : memref<!tpu.dma_semaphore, #tpu.memory_space<semaphore_mem>>)
      %dma_wait3A_73 = tpu.memref_slice %arg2[%mul3A_6] : memref<32768xi32, #tpu.memory_space<hbm>> -> memref<1024xi32, #tpu.memory_space<hbm>>
      %dma_wait3A_74 = tpu.memref_slice %arg2[%mul3A_6] : memref<32768xi32, #tpu.memory_space<hbm>> -> memref<1024xi32, #tpu.memory_space<hbm>>
      tpu.wait_dma2 semaphore(%run_scoped3A : memref<!tpu.dma_semaphore, #tpu.memory_space<semaphore_mem>>) src(%dma_wait3A_74 : memref<1024xi32, #tpu.memory_space<hbm>>) dst(%arg8 : memref<1024xi32, #tpu.memory_space<vmem>>)
      tpu.yield
    }) : () -> ()
    %mul3A_7 = arith.constant 64 : i32
    %mul3A_8 = arith.muli %add3A, %mul3A_7 : i32
    %mul3A_9 = arith.constant 16 : i32
    %mul3A_10 = arith.muli %mul3A_8, %mul3A_9 : i32
    %mul3A_11 = arith.constant 16 : i32
    %mul3A_12 = arith.muli %mul3A_10, %mul3A_11 : i32
    "tpu.region"() ({
      %run_scoped3A = tpu.sem_alloc : memref<!tpu.dma_semaphore, #tpu.memory_space<semaphore_mem>>
      %dma_start3A_71 = tpu.memref_slice %arg3[%mul3A_12] : memref<524288xf32, #tpu.memory_space<hbm>> -> memref<16384xf32, #tpu.memory_space<hbm>>
      %dma_start3A_72 = tpu.memref_slice %arg3[%mul3A_12] : memref<524288xf32, #tpu.memory_space<hbm>> -> memref<16384xf32, #tpu.memory_space<hbm>>
      tpu.enqueue_dma source(%dma_start3A_72 : memref<16384xf32, #tpu.memory_space<hbm>>) target(%arg9 : memref<16384xf32, #tpu.memory_space<vmem>>) target_semaphore(%run_scoped3A : memref<!tpu.dma_semaphore, #tpu.memory_space<semaphore_mem>>)
      %dma_wait3A_73 = tpu.memref_slice %arg3[%mul3A_12] : memref<524288xf32, #tpu.memory_space<hbm>> -> memref<16384xf32, #tpu.memory_space<hbm>>
      %dma_wait3A_74 = tpu.memref_slice %arg3[%mul3A_12] : memref<524288xf32, #tpu.memory_space<hbm>> -> memref<16384xf32, #tpu.memory_space<hbm>>
      tpu.wait_dma2 semaphore(%run_scoped3A : memref<!tpu.dma_semaphore, #tpu.memory_space<semaphore_mem>>) src(%dma_wait3A_74 : memref<16384xf32, #tpu.memory_space<hbm>>) dst(%arg9 : memref<16384xf32, #tpu.memory_space<vmem>>)
      tpu.yield
    }) : () -> ()
    "tpu.region"() ({
      %run_scoped3A = tpu.sem_alloc : memref<!tpu.dma_semaphore, #tpu.memory_space<semaphore_mem>>
      tpu.enqueue_dma source(%arg5 : memref<512xf32, #tpu.memory_space<hbm>>) target(%arg10 : memref<512xf32, #tpu.memory_space<vmem>>) target_semaphore(%run_scoped3A : memref<!tpu.dma_semaphore, #tpu.memory_space<semaphore_mem>>)
      tpu.wait_dma2 semaphore(%run_scoped3A : memref<!tpu.dma_semaphore, #tpu.memory_space<semaphore_mem>>) src(%arg5 : memref<512xf32, #tpu.memory_space<hbm>>) dst(%arg10 : memref<512xf32, #tpu.memory_space<vmem>>)
      tpu.yield
    }) : () -> ()
    %dma_start3A = arith.constant 0 : i32
    %dma_start3A_13 = arith.constant 0 : i32
    %dma_start3A_14 = arith.constant 0 : i32
    %dma_start3A_15 = tpu.memref_slice %arg11[%dma_start3A, %dma_start3A_13, %dma_start3A_14] : memref<2x32x512xf32, #tpu.memory_space<vmem>> -> memref<1x32x512xf32, #tpu.memory_space<vmem>>
    %dma_start3A_16 = tpu.memref_squeeze %dma_start3A_15 : memref<1x32x512xf32, #tpu.memory_space<vmem>> -> memref<32x512xf32, #tpu.memory_space<vmem>>
    %dma_start3A_17 = arith.constant 0 : i32
    %dma_start3A_18 = tpu.memref_slice %arg8[%dma_start3A_17] : memref<1024xi32, #tpu.memory_space<vmem>> -> memref<32xi32, #tpu.memory_space<vmem>>
    %dma_start3A_19 = arith.constant 0 : i32
    %dma_start3A_20 = arith.constant 0 : i32
    %dma_start3A_21 = tpu.memref_slice %arg6[%dma_start3A_19, %dma_start3A_20] : memref<8192x512xf32, #tpu.memory_space<hbm>> -> memref<8192x512xf32, #tpu.memory_space<hbm>>
    tpu.enqueue_indirect_dma source(%dma_start3A_21 : memref<8192x512xf32, #tpu.memory_space<hbm>>) target(%dma_start3A_16 : memref<32x512xf32, #tpu.memory_space<vmem>>) offsets(%dma_start3A_18 : memref<32xi32, #tpu.memory_space<vmem>>) semaphore(%arg14 : memref<!tpu.dma_semaphore, #tpu.memory_space<semaphore_mem>>)
    %add3A_22 = arith.constant 0 : i32
    %add3A_23 = arith.addi %mul3A_2, %add3A_22 : i32
    %dma_start3A_24 = arith.constant 0 : i32
    %dma_start3A_25 = arith.constant 0 : i32
    %dma_start3A_26 = arith.constant 0 : i32
    %dma_start3A_27 = tpu.memref_slice %arg12[%dma_start3A_24, %dma_start3A_25, %dma_start3A_26] : memref<2x16x1024xf32, #tpu.memory_space<vmem>> -> memref<1x16x1024xf32, #tpu.memory_space<vmem>>
    %dma_start3A_28 = tpu.memref_squeeze %dma_start3A_27 : memref<1x16x1024xf32, #tpu.memory_space<vmem>> -> memref<16x1024xf32, #tpu.memory_space<vmem>>
    %dma_start3A_29 = arith.constant 0 : i32
    %dma_start3A_30 = tpu.memref_slice %arg4[%dma_start3A_29, %add3A_23] : memref<16x1048576xf32, #tpu.memory_space<hbm>> -> memref<16x1024xf32, #tpu.memory_space<hbm>>
    %dma_start3A_31 = arith.constant 0 : i32
    %dma_start3A_32 = arith.constant 0 : i32
    %dma_start3A_33 = tpu.memref_slice %arg12[%dma_start3A_24, %dma_start3A_31, %dma_start3A_32] : memref<2x16x1024xf32, #tpu.memory_space<vmem>> -> memref<1x16x1024xf32, #tpu.memory_space<vmem>>
    %dma_start3A_34 = tpu.memref_squeeze %dma_start3A_33 : memref<1x16x1024xf32, #tpu.memory_space<vmem>> -> memref<16x1024xf32, #tpu.memory_space<vmem>>
    %dma_start3A_35 = arith.constant 0 : i32
    %dma_start3A_36 = tpu.memref_slice %arg4[%dma_start3A_35, %add3A_23] : memref<16x1048576xf32, #tpu.memory_space<hbm>> -> memref<16x1024xf32, #tpu.memory_space<hbm>>
    tpu.enqueue_dma source(%dma_start3A_36 : memref<16x1024xf32, #tpu.memory_space<hbm>>) target(%dma_start3A_34 : memref<16x1024xf32, #tpu.memory_space<vmem>>) target_semaphore(%arg16 : memref<!tpu.dma_semaphore, #tpu.memory_space<semaphore_mem>>)
    %scan3A = arith.constant 0 : i32
    %scan3A_37 = arith.constant 0 : i32
    %scan3A_38 = arith.constant 16 : i32
    %scan3A_39 = arith.addi %scan3A_37, %scan3A_38 : i32
    %scan3A_40 = arith.constant 1 : i32
    scf.for %scan3A_71 = %scan3A_37 to %scan3A_39 step %scan3A_40  : i32 {
      %mul3A_72 = arith.constant 2 : i32
      %mul3A_73 = arith.muli %scan3A_71, %mul3A_72 : i32
      %add3A_74 = arith.constant 0 : i32
      %add3A_75 = arith.addi %mul3A_73, %add3A_74 : i32
      %add3A_76 = arith.constant 1 : i32
      %add3A_77 = arith.addi %add3A_75, %add3A_76 : i32
      %lt3A = arith.constant 32 : i32
      %lt3A_78 = arith.cmpi slt, %add3A_77, %lt3A : i32
      %convert_element_type3A = arith.extui %lt3A_78 : i1 to i32
      %cond3A = arith.constant 0 : i32
      %cond3A_79 = arith.cmpi ne, %convert_element_type3A, %cond3A : i32
      scf.if %cond3A_79 {
        %add3A_186 = arith.constant 1 : i32
        %add3A_187 = arith.addi %add3A_75, %add3A_186 : i32
        %mul3A_188 = arith.constant 32 : i32
        %mul3A_189 = arith.muli %add3A_187, %mul3A_188 : i32
        %dma_start3A_190 = arith.constant 1 : i32
        %dma_start3A_191 = arith.constant 0 : i32
        %dma_start3A_192 = arith.constant 0 : i32
        %dma_start3A_193 = tpu.memref_slice %arg11[%dma_start3A_190, %dma_start3A_191, %dma_start3A_192] : memref<2x32x512xf32, #tpu.memory_space<vmem>> -> memref<1x32x512xf32, #tpu.memory_space<vmem>>
        %dma_start3A_194 = tpu.memref_squeeze %dma_start3A_193 : memref<1x32x512xf32, #tpu.memory_space<vmem>> -> memref<32x512xf32, #tpu.memory_space<vmem>>
        %dma_start3A_195 = tpu.memref_slice %arg8[%mul3A_189] : memref<1024xi32, #tpu.memory_space<vmem>> -> memref<32xi32, #tpu.memory_space<vmem>>
        %dma_start3A_196 = arith.constant 0 : i32
        %dma_start3A_197 = arith.constant 0 : i32
        %dma_start3A_198 = tpu.memref_slice %arg6[%dma_start3A_196, %dma_start3A_197] : memref<8192x512xf32, #tpu.memory_space<hbm>> -> memref<8192x512xf32, #tpu.memory_space<hbm>>
        tpu.enqueue_indirect_dma source(%dma_start3A_198 : memref<8192x512xf32, #tpu.memory_space<hbm>>) target(%dma_start3A_194 : memref<32x512xf32, #tpu.memory_space<vmem>>) offsets(%dma_start3A_195 : memref<32xi32, #tpu.memory_space<vmem>>) semaphore(%arg15 : memref<!tpu.dma_semaphore, #tpu.memory_space<semaphore_mem>>)
        %mul3A_199 = arith.constant 1024 : i32
        %mul3A_200 = arith.muli %add3A_187, %mul3A_199 : i32
        %add3A_201 = arith.addi %mul3A_2, %mul3A_200 : i32
        %dma_start3A_202 = arith.constant 1 : i32
        %dma_start3A_203 = arith.constant 0 : i32
        %dma_start3A_204 = arith.constant 0 : i32
        %dma_start3A_205 = tpu.memref_slice %arg12[%dma_start3A_202, %dma_start3A_203, %dma_start3A_204] : memref<2x16x1024xf32, #tpu.memory_space<vmem>> -> memref<1x16x1024xf32, #tpu.memory_space<vmem>>
        %dma_start3A_206 = tpu.memref_squeeze %dma_start3A_205 : memref<1x16x1024xf32, #tpu.memory_space<vmem>> -> memref<16x1024xf32, #tpu.memory_space<vmem>>
        %dma_start3A_207 = arith.constant 0 : i32
        %dma_start3A_208 = tpu.memref_slice %arg4[%dma_start3A_207, %add3A_201] : memref<16x1048576xf32, #tpu.memory_space<hbm>> -> memref<16x1024xf32, #tpu.memory_space<hbm>>
        %dma_start3A_209 = arith.constant 0 : i32
        %dma_start3A_210 = arith.constant 0 : i32
        %dma_start3A_211 = tpu.memref_slice %arg12[%dma_start3A_202, %dma_start3A_209, %dma_start3A_210] : memref<2x16x1024xf32, #tpu.memory_space<vmem>> -> memref<1x16x1024xf32, #tpu.memory_space<vmem>>
        %dma_start3A_212 = tpu.memref_squeeze %dma_start3A_211 : memref<1x16x1024xf32, #tpu.memory_space<vmem>> -> memref<16x1024xf32, #tpu.memory_space<vmem>>
        %dma_start3A_213 = arith.constant 0 : i32
        %dma_start3A_214 = tpu.memref_slice %arg4[%dma_start3A_213, %add3A_201] : memref<16x1048576xf32, #tpu.memory_space<hbm>> -> memref<16x1024xf32, #tpu.memory_space<hbm>>
        tpu.enqueue_dma source(%dma_start3A_214 : memref<16x1024xf32, #tpu.memory_space<hbm>>) target(%dma_start3A_212 : memref<16x1024xf32, #tpu.memory_space<vmem>>) target_semaphore(%arg17 : memref<!tpu.dma_semaphore, #tpu.memory_space<semaphore_mem>>)
      } else {
      }
      %mul3A_80 = arith.constant 32 : i32
      %mul3A_81 = arith.muli %add3A_75, %mul3A_80 : i32
      %dma_wait3A_82 = arith.constant 0 : i32
      %dma_wait3A_83 = arith.constant 0 : i32
      %dma_wait3A_84 = arith.constant 0 : i32
      %dma_wait3A_85 = tpu.memref_slice %arg11[%dma_wait3A_82, %dma_wait3A_83, %dma_wait3A_84] : memref<2x32x512xf32, #tpu.memory_space<vmem>> -> memref<1x32x512xf32, #tpu.memory_space<vmem>>
      %dma_wait3A_86 = tpu.memref_squeeze %dma_wait3A_85 : memref<1x32x512xf32, #tpu.memory_space<vmem>> -> memref<32x512xf32, #tpu.memory_space<vmem>>
      %dma_wait3A_87 = tpu.memref_slice %arg8[%mul3A_81] : memref<1024xi32, #tpu.memory_space<vmem>> -> memref<32xi32, #tpu.memory_space<vmem>>
      %dma_wait3A_88 = arith.constant 0 : i32
      %dma_wait3A_89 = arith.constant 0 : i32
      %dma_wait3A_90 = tpu.memref_slice %arg6[%dma_wait3A_88, %dma_wait3A_89] : memref<8192x512xf32, #tpu.memory_space<hbm>> -> memref<8192x512xf32, #tpu.memory_space<hbm>>
      tpu.wait_indirect_dma semaphore(%arg14 : memref<!tpu.dma_semaphore, #tpu.memory_space<semaphore_mem>>) src(%dma_wait3A_90 : memref<8192x512xf32, #tpu.memory_space<hbm>>) dst(%dma_wait3A_86 : memref<32x512xf32, #tpu.memory_space<vmem>>)
      %mul3A_91 = arith.constant 1024 : i32
      %mul3A_92 = arith.muli %add3A_75, %mul3A_91 : i32
      %add3A_93 = arith.addi %mul3A_2, %mul3A_92 : i32
      %dma_wait3A_94 = arith.constant 0 : i32
      %dma_wait3A_95 = arith.constant 0 : i32
      %dma_wait3A_96 = arith.constant 0 : i32
      %dma_wait3A_97 = tpu.memref_slice %arg12[%dma_wait3A_94, %dma_wait3A_95, %dma_wait3A_96] : memref<2x16x1024xf32, #tpu.memory_space<vmem>> -> memref<1x16x1024xf32, #tpu.memory_space<vmem>>
      %dma_wait3A_98 = tpu.memref_squeeze %dma_wait3A_97 : memref<1x16x1024xf32, #tpu.memory_space<vmem>> -> memref<16x1024xf32, #tpu.memory_space<vmem>>
      %dma_wait3A_99 = arith.constant 0 : i32
      %dma_wait3A_100 = tpu.memref_slice %arg4[%dma_wait3A_99, %add3A_93] : memref<16x1048576xf32, #tpu.memory_space<hbm>> -> memref<16x1024xf32, #tpu.memory_space<hbm>>
      %dma_wait3A_101 = arith.constant 0 : i32
      %dma_wait3A_102 = arith.constant 0 : i32
      %dma_wait3A_103 = tpu.memref_slice %arg12[%dma_wait3A_94, %dma_wait3A_101, %dma_wait3A_102] : memref<2x16x1024xf32, #tpu.memory_space<vmem>> -> memref<1x16x1024xf32, #tpu.memory_space<vmem>>
      %dma_wait3A_104 = tpu.memref_squeeze %dma_wait3A_103 : memref<1x16x1024xf32, #tpu.memory_space<vmem>> -> memref<16x1024xf32, #tpu.memory_space<vmem>>
      %dma_wait3A_105 = arith.constant 0 : i32
      %dma_wait3A_106 = tpu.memref_slice %arg4[%dma_wait3A_105, %add3A_93] : memref<16x1048576xf32, #tpu.memory_space<hbm>> -> memref<16x1024xf32, #tpu.memory_space<hbm>>
      tpu.wait_dma2 semaphore(%arg16 : memref<!tpu.dma_semaphore, #tpu.memory_space<semaphore_mem>>) src(%dma_wait3A_106 : memref<16x1024xf32, #tpu.memory_space<hbm>>) dst(%dma_wait3A_104 : memref<16x1024xf32, #tpu.memory_space<vmem>>)
      %ge3A = arith.constant 2 : i32
      %ge3A_107 = arith.cmpi sge, %add3A_75, %ge3A : i32
      %convert_element_type3A_108 = arith.extui %ge3A_107 : i1 to i32
      %cond3A_109 = arith.constant 0 : i32
      %cond3A_110 = arith.cmpi ne, %convert_element_type3A_108, %cond3A_109 : i32
      scf.if %cond3A_110 {
        %sub3A = arith.constant 2 : i32
        %sub3A_186 = arith.subi %add3A_75, %sub3A : i32
        %mul3A_187 = arith.constant 1024 : i32
        %mul3A_188 = arith.muli %sub3A_186, %mul3A_187 : i32
        %add3A_189 = arith.addi %mul3A_2, %mul3A_188 : i32
        %dma_wait3A_190 = arith.constant 0 : i32
        %dma_wait3A_191 = arith.constant 0 : i32
        %dma_wait3A_192 = arith.constant 0 : i32
        %dma_wait3A_193 = tpu.memref_slice %arg12[%dma_wait3A_190, %dma_wait3A_191, %dma_wait3A_192] : memref<2x16x1024xf32, #tpu.memory_space<vmem>> -> memref<1x16x1024xf32, #tpu.memory_space<vmem>>
        %dma_wait3A_194 = tpu.memref_squeeze %dma_wait3A_193 : memref<1x16x1024xf32, #tpu.memory_space<vmem>> -> memref<16x1024xf32, #tpu.memory_space<vmem>>
        %dma_wait3A_195 = arith.constant 0 : i32
        %dma_wait3A_196 = tpu.memref_slice %arg7[%dma_wait3A_195, %add3A_189] : memref<16x1048576xf32, #tpu.memory_space<hbm>> -> memref<16x1024xf32, #tpu.memory_space<hbm>>
        %dma_wait3A_197 = arith.constant 0 : i32
        %dma_wait3A_198 = tpu.memref_slice %arg7[%dma_wait3A_197, %add3A_189] : memref<16x1048576xf32, #tpu.memory_space<hbm>> -> memref<16x1024xf32, #tpu.memory_space<hbm>>
        %dma_wait3A_199 = arith.constant 0 : i32
        %dma_wait3A_200 = arith.constant 0 : i32
        %dma_wait3A_201 = tpu.memref_slice %arg12[%dma_wait3A_190, %dma_wait3A_199, %dma_wait3A_200] : memref<2x16x1024xf32, #tpu.memory_space<vmem>> -> memref<1x16x1024xf32, #tpu.memory_space<vmem>>
        %dma_wait3A_202 = tpu.memref_squeeze %dma_wait3A_201 : memref<1x16x1024xf32, #tpu.memory_space<vmem>> -> memref<16x1024xf32, #tpu.memory_space<vmem>>
        tpu.wait_dma2 semaphore(%arg18 : memref<!tpu.dma_semaphore, #tpu.memory_space<semaphore_mem>>) src(%dma_wait3A_202 : memref<16x1024xf32, #tpu.memory_space<vmem>>) dst(%dma_wait3A_198 : memref<16x1024xf32, #tpu.memory_space<hbm>>)
      } else {
      }
      %mul3A_111 = arith.constant 1024 : i32
      %mul3A_112 = arith.muli %add3A_75, %mul3A_111 : i32
      %add3A_113 = arith.addi %mul3A_2, %mul3A_112 : i32
      %dma_start3A_114 = arith.constant 0 : i32
      %dma_start3A_115 = arith.constant 0 : i32
      %dma_start3A_116 = arith.constant 0 : i32
      %dma_start3A_117 = tpu.memref_slice %arg12[%dma_start3A_114, %dma_start3A_115, %dma_start3A_116] : memref<2x16x1024xf32, #tpu.memory_space<vmem>> -> memref<1x16x1024xf32, #tpu.memory_space<vmem>>
      %dma_start3A_118 = tpu.memref_squeeze %dma_start3A_117 : memref<1x16x1024xf32, #tpu.memory_space<vmem>> -> memref<16x1024xf32, #tpu.memory_space<vmem>>
      %dma_start3A_119 = arith.constant 0 : i32
      %dma_start3A_120 = tpu.memref_slice %arg7[%dma_start3A_119, %add3A_113] : memref<16x1048576xf32, #tpu.memory_space<hbm>> -> memref<16x1024xf32, #tpu.memory_space<hbm>>
      %dma_start3A_121 = arith.constant 0 : i32
      %dma_start3A_122 = tpu.memref_slice %arg7[%dma_start3A_121, %add3A_113] : memref<16x1048576xf32, #tpu.memory_space<hbm>> -> memref<16x1024xf32, #tpu.memory_space<hbm>>
      %dma_start3A_123 = arith.constant 0 : i32
      %dma_start3A_124 = arith.constant 0 : i32
      %dma_start3A_125 = tpu.memref_slice %arg12[%dma_start3A_114, %dma_start3A_123, %dma_start3A_124] : memref<2x16x1024xf32, #tpu.memory_space<vmem>> -> memref<1x16x1024xf32, #tpu.memory_space<vmem>>
      %dma_start3A_126 = tpu.memref_squeeze %dma_start3A_125 : memref<1x16x1024xf32, #tpu.memory_space<vmem>> -> memref<16x1024xf32, #tpu.memory_space<vmem>>
      tpu.enqueue_dma source(%dma_start3A_126 : memref<16x1024xf32, #tpu.memory_space<vmem>>) target(%dma_start3A_122 : memref<16x1024xf32, #tpu.memory_space<hbm>>) target_semaphore(%arg18 : memref<!tpu.dma_semaphore, #tpu.memory_space<semaphore_mem>>)
      %mul3A_127 = arith.constant 2 : i32
      %mul3A_128 = arith.muli %scan3A_71, %mul3A_127 : i32
      %add3A_129 = arith.constant 1 : i32
      %add3A_130 = arith.addi %mul3A_128, %add3A_129 : i32
      %add3A_131 = arith.constant 1 : i32
      %add3A_132 = arith.addi %add3A_130, %add3A_131 : i32
      %lt3A_133 = arith.constant 32 : i32
      %lt3A_134 = arith.cmpi slt, %add3A_132, %lt3A_133 : i32
      %convert_element_type3A_135 = arith.extui %lt3A_134 : i1 to i32
      %cond3A_136 = arith.constant 0 : i32
      %cond3A_137 = arith.cmpi ne, %convert_element_type3A_135, %cond3A_136 : i32
      scf.if %cond3A_137 {
        %add3A_186 = arith.constant 1 : i32
        %add3A_187 = arith.addi %add3A_130, %add3A_186 : i32
        %mul3A_188 = arith.constant 32 : i32
        %mul3A_189 = arith.muli %add3A_187, %mul3A_188 : i32
        %dma_start3A_190 = arith.constant 0 : i32
        %dma_start3A_191 = arith.constant 0 : i32
        %dma_start3A_192 = arith.constant 0 : i32
        %dma_start3A_193 = tpu.memref_slice %arg11[%dma_start3A_190, %dma_start3A_191, %dma_start3A_192] : memref<2x32x512xf32, #tpu.memory_space<vmem>> -> memref<1x32x512xf32, #tpu.memory_space<vmem>>
        %dma_start3A_194 = tpu.memref_squeeze %dma_start3A_193 : memref<1x32x512xf32, #tpu.memory_space<vmem>> -> memref<32x512xf32, #tpu.memory_space<vmem>>
        %dma_start3A_195 = tpu.memref_slice %arg8[%mul3A_189] : memref<1024xi32, #tpu.memory_space<vmem>> -> memref<32xi32, #tpu.memory_space<vmem>>
        %dma_start3A_196 = arith.constant 0 : i32
        %dma_start3A_197 = arith.constant 0 : i32
        %dma_start3A_198 = tpu.memref_slice %arg6[%dma_start3A_196, %dma_start3A_197] : memref<8192x512xf32, #tpu.memory_space<hbm>> -> memref<8192x512xf32, #tpu.memory_space<hbm>>
        tpu.enqueue_indirect_dma source(%dma_start3A_198 : memref<8192x512xf32, #tpu.memory_space<hbm>>) target(%dma_start3A_194 : memref<32x512xf32, #tpu.memory_space<vmem>>) offsets(%dma_start3A_195 : memref<32xi32, #tpu.memory_space<vmem>>) semaphore(%arg14 : memref<!tpu.dma_semaphore, #tpu.memory_space<semaphore_mem>>)
        %mul3A_199 = arith.constant 1024 : i32
        %mul3A_200 = arith.muli %add3A_187, %mul3A_199 : i32
        %add3A_201 = arith.addi %mul3A_2, %mul3A_200 : i32
        %dma_start3A_202 = arith.constant 0 : i32
        %dma_start3A_203 = arith.constant 0 : i32
        %dma_start3A_204 = arith.constant 0 : i32
        %dma_start3A_205 = tpu.memref_slice %arg12[%dma_start3A_202, %dma_start3A_203, %dma_start3A_204] : memref<2x16x1024xf32, #tpu.memory_space<vmem>> -> memref<1x16x1024xf32, #tpu.memory_space<vmem>>
        %dma_start3A_206 = tpu.memref_squeeze %dma_start3A_205 : memref<1x16x1024xf32, #tpu.memory_space<vmem>> -> memref<16x1024xf32, #tpu.memory_space<vmem>>
        %dma_start3A_207 = arith.constant 0 : i32
        %dma_start3A_208 = tpu.memref_slice %arg4[%dma_start3A_207, %add3A_201] : memref<16x1048576xf32, #tpu.memory_space<hbm>> -> memref<16x1024xf32, #tpu.memory_space<hbm>>
        %dma_start3A_209 = arith.constant 0 : i32
        %dma_start3A_210 = arith.constant 0 : i32
        %dma_start3A_211 = tpu.memref_slice %arg12[%dma_start3A_202, %dma_start3A_209, %dma_start3A_210] : memref<2x16x1024xf32, #tpu.memory_space<vmem>> -> memref<1x16x1024xf32, #tpu.memory_space<vmem>>
        %dma_start3A_212 = tpu.memref_squeeze %dma_start3A_211 : memref<1x16x1024xf32, #tpu.memory_space<vmem>> -> memref<16x1024xf32, #tpu.memory_space<vmem>>
        %dma_start3A_213 = arith.constant 0 : i32
        %dma_start3A_214 = tpu.memref_slice %arg4[%dma_start3A_213, %add3A_201] : memref<16x1048576xf32, #tpu.memory_space<hbm>> -> memref<16x1024xf32, #tpu.memory_space<hbm>>
        tpu.enqueue_dma source(%dma_start3A_214 : memref<16x1024xf32, #tpu.memory_space<hbm>>) target(%dma_start3A_212 : memref<16x1024xf32, #tpu.memory_space<vmem>>) target_semaphore(%arg16 : memref<!tpu.dma_semaphore, #tpu.memory_space<semaphore_mem>>)
      } else {
      }
      %mul3A_138 = arith.constant 32 : i32
      %mul3A_139 = arith.muli %add3A_130, %mul3A_138 : i32
      %dma_wait3A_140 = arith.constant 1 : i32
      %dma_wait3A_141 = arith.constant 0 : i32
      %dma_wait3A_142 = arith.constant 0 : i32
      %dma_wait3A_143 = tpu.memref_slice %arg11[%dma_wait3A_140, %dma_wait3A_141, %dma_wait3A_142] : memref<2x32x512xf32, #tpu.memory_space<vmem>> -> memref<1x32x512xf32, #tpu.memory_space<vmem>>
      %dma_wait3A_144 = tpu.memref_squeeze %dma_wait3A_143 : memref<1x32x512xf32, #tpu.memory_space<vmem>> -> memref<32x512xf32, #tpu.memory_space<vmem>>
      %dma_wait3A_145 = tpu.memref_slice %arg8[%mul3A_139] : memref<1024xi32, #tpu.memory_space<vmem>> -> memref<32xi32, #tpu.memory_space<vmem>>
      %dma_wait3A_146 = arith.constant 0 : i32
      %dma_wait3A_147 = arith.constant 0 : i32
      %dma_wait3A_148 = tpu.memref_slice %arg6[%dma_wait3A_146, %dma_wait3A_147] : memref<8192x512xf32, #tpu.memory_space<hbm>> -> memref<8192x512xf32, #tpu.memory_space<hbm>>
      tpu.wait_indirect_dma semaphore(%arg15 : memref<!tpu.dma_semaphore, #tpu.memory_space<semaphore_mem>>) src(%dma_wait3A_148 : memref<8192x512xf32, #tpu.memory_space<hbm>>) dst(%dma_wait3A_144 : memref<32x512xf32, #tpu.memory_space<vmem>>)
      %mul3A_149 = arith.constant 1024 : i32
      %mul3A_150 = arith.muli %add3A_130, %mul3A_149 : i32
      %add3A_151 = arith.addi %mul3A_2, %mul3A_150 : i32
      %dma_wait3A_152 = arith.constant 1 : i32
      %dma_wait3A_153 = arith.constant 0 : i32
      %dma_wait3A_154 = arith.constant 0 : i32
      %dma_wait3A_155 = tpu.memref_slice %arg12[%dma_wait3A_152, %dma_wait3A_153, %dma_wait3A_154] : memref<2x16x1024xf32, #tpu.memory_space<vmem>> -> memref<1x16x1024xf32, #tpu.memory_space<vmem>>
      %dma_wait3A_156 = tpu.memref_squeeze %dma_wait3A_155 : memref<1x16x1024xf32, #tpu.memory_space<vmem>> -> memref<16x1024xf32, #tpu.memory_space<vmem>>
      %dma_wait3A_157 = arith.constant 0 : i32
      %dma_wait3A_158 = tpu.memref_slice %arg4[%dma_wait3A_157, %add3A_151] : memref<16x1048576xf32, #tpu.memory_space<hbm>> -> memref<16x1024xf32, #tpu.memory_space<hbm>>
      %dma_wait3A_159 = arith.constant 0 : i32
      %dma_wait3A_160 = arith.constant 0 : i32
      %dma_wait3A_161 = tpu.memref_slice %arg12[%dma_wait3A_152, %dma_wait3A_159, %dma_wait3A_160] : memref<2x16x1024xf32, #tpu.memory_space<vmem>> -> memref<1x16x1024xf32, #tpu.memory_space<vmem>>
      %dma_wait3A_162 = tpu.memref_squeeze %dma_wait3A_161 : memref<1x16x1024xf32, #tpu.memory_space<vmem>> -> memref<16x1024xf32, #tpu.memory_space<vmem>>
      %dma_wait3A_163 = arith.constant 0 : i32
      %dma_wait3A_164 = tpu.memref_slice %arg4[%dma_wait3A_163, %add3A_151] : memref<16x1048576xf32, #tpu.memory_space<hbm>> -> memref<16x1024xf32, #tpu.memory_space<hbm>>
      tpu.wait_dma2 semaphore(%arg17 : memref<!tpu.dma_semaphore, #tpu.memory_space<semaphore_mem>>) src(%dma_wait3A_164 : memref<16x1024xf32, #tpu.memory_space<hbm>>) dst(%dma_wait3A_162 : memref<16x1024xf32, #tpu.memory_space<vmem>>)
      %ge3A_165 = arith.constant 2 : i32
      %ge3A_166 = arith.cmpi sge, %add3A_130, %ge3A_165 : i32
      %convert_element_type3A_167 = arith.extui %ge3A_166 : i1 to i32
      %cond3A_168 = arith.constant 0 : i32
      %cond3A_169 = arith.cmpi ne, %convert_element_type3A_167, %cond3A_168 : i32
      scf.if %cond3A_169 {
        %sub3A = arith.constant 2 : i32
        %sub3A_186 = arith.subi %add3A_130, %sub3A : i32
        %mul3A_187 = arith.constant 1024 : i32
        %mul3A_188 = arith.muli %sub3A_186, %mul3A_187 : i32
        %add3A_189 = arith.addi %mul3A_2, %mul3A_188 : i32
        %dma_wait3A_190 = arith.constant 1 : i32
        %dma_wait3A_191 = arith.constant 0 : i32
        %dma_wait3A_192 = arith.constant 0 : i32
        %dma_wait3A_193 = tpu.memref_slice %arg12[%dma_wait3A_190, %dma_wait3A_191, %dma_wait3A_192] : memref<2x16x1024xf32, #tpu.memory_space<vmem>> -> memref<1x16x1024xf32, #tpu.memory_space<vmem>>
        %dma_wait3A_194 = tpu.memref_squeeze %dma_wait3A_193 : memref<1x16x1024xf32, #tpu.memory_space<vmem>> -> memref<16x1024xf32, #tpu.memory_space<vmem>>
        %dma_wait3A_195 = arith.constant 0 : i32
        %dma_wait3A_196 = tpu.memref_slice %arg7[%dma_wait3A_195, %add3A_189] : memref<16x1048576xf32, #tpu.memory_space<hbm>> -> memref<16x1024xf32, #tpu.memory_space<hbm>>
        %dma_wait3A_197 = arith.constant 0 : i32
        %dma_wait3A_198 = tpu.memref_slice %arg7[%dma_wait3A_197, %add3A_189] : memref<16x1048576xf32, #tpu.memory_space<hbm>> -> memref<16x1024xf32, #tpu.memory_space<hbm>>
        %dma_wait3A_199 = arith.constant 0 : i32
        %dma_wait3A_200 = arith.constant 0 : i32
        %dma_wait3A_201 = tpu.memref_slice %arg12[%dma_wait3A_190, %dma_wait3A_199, %dma_wait3A_200] : memref<2x16x1024xf32, #tpu.memory_space<vmem>> -> memref<1x16x1024xf32, #tpu.memory_space<vmem>>
        %dma_wait3A_202 = tpu.memref_squeeze %dma_wait3A_201 : memref<1x16x1024xf32, #tpu.memory_space<vmem>> -> memref<16x1024xf32, #tpu.memory_space<vmem>>
        tpu.wait_dma2 semaphore(%arg19 : memref<!tpu.dma_semaphore, #tpu.memory_space<semaphore_mem>>) src(%dma_wait3A_202 : memref<16x1024xf32, #tpu.memory_space<vmem>>) dst(%dma_wait3A_198 : memref<16x1024xf32, #tpu.memory_space<hbm>>)
      } else {
      }
      %mul3A_170 = arith.constant 1024 : i32
      %mul3A_171 = arith.muli %add3A_130, %mul3A_170 : i32
      %add3A_172 = arith.addi %mul3A_2, %mul3A_171 : i32
      %dma_start3A_173 = arith.constant 1 : i32
      %dma_start3A_174 = arith.constant 0 : i32
      %dma_start3A_175 = arith.constant 0 : i32
      %dma_start3A_176 = tpu.memref_slice %arg12[%dma_start3A_173, %dma_start3A_174, %dma_start3A_175] : memref<2x16x1024xf32, #tpu.memory_space<vmem>> -> memref<1x16x1024xf32, #tpu.memory_space<vmem>>
      %dma_start3A_177 = tpu.memref_squeeze %dma_start3A_176 : memref<1x16x1024xf32, #tpu.memory_space<vmem>> -> memref<16x1024xf32, #tpu.memory_space<vmem>>
      %dma_start3A_178 = arith.constant 0 : i32
      %dma_start3A_179 = tpu.memref_slice %arg7[%dma_start3A_178, %add3A_172] : memref<16x1048576xf32, #tpu.memory_space<hbm>> -> memref<16x1024xf32, #tpu.memory_space<hbm>>
      %dma_start3A_180 = arith.constant 0 : i32
      %dma_start3A_181 = tpu.memref_slice %arg7[%dma_start3A_180, %add3A_172] : memref<16x1048576xf32, #tpu.memory_space<hbm>> -> memref<16x1024xf32, #tpu.memory_space<hbm>>
      %dma_start3A_182 = arith.constant 0 : i32
      %dma_start3A_183 = arith.constant 0 : i32
      %dma_start3A_184 = tpu.memref_slice %arg12[%dma_start3A_173, %dma_start3A_182, %dma_start3A_183] : memref<2x16x1024xf32, #tpu.memory_space<vmem>> -> memref<1x16x1024xf32, #tpu.memory_space<vmem>>
      %dma_start3A_185 = tpu.memref_squeeze %dma_start3A_184 : memref<1x16x1024xf32, #tpu.memory_space<vmem>> -> memref<16x1024xf32, #tpu.memory_space<vmem>>
      tpu.enqueue_dma source(%dma_start3A_185 : memref<16x1024xf32, #tpu.memory_space<vmem>>) target(%dma_start3A_181 : memref<16x1024xf32, #tpu.memory_space<hbm>>) target_semaphore(%arg19 : memref<!tpu.dma_semaphore, #tpu.memory_space<semaphore_mem>>)
    }
    %scan3A_41 = arith.constant 16 : i32
    %add3A_42 = arith.constant 30720 : i32
    %add3A_43 = arith.addi %mul3A_2, %add3A_42 : i32
    %dma_wait3A = arith.constant 0 : i32
    %dma_wait3A_44 = arith.constant 0 : i32
    %dma_wait3A_45 = arith.constant 0 : i32
    %dma_wait3A_46 = tpu.memref_slice %arg12[%dma_wait3A, %dma_wait3A_44, %dma_wait3A_45] : memref<2x16x1024xf32, #tpu.memory_space<vmem>> -> memref<1x16x1024xf32, #tpu.memory_space<vmem>>
    %dma_wait3A_47 = tpu.memref_squeeze %dma_wait3A_46 : memref<1x16x1024xf32, #tpu.memory_space<vmem>> -> memref<16x1024xf32, #tpu.memory_space<vmem>>
    %dma_wait3A_48 = arith.constant 0 : i32
    %dma_wait3A_49 = tpu.memref_slice %arg7[%dma_wait3A_48, %add3A_43] : memref<16x1048576xf32, #tpu.memory_space<hbm>> -> memref<16x1024xf32, #tpu.memory_space<hbm>>
    %dma_wait3A_50 = arith.constant 0 : i32
    %dma_wait3A_51 = tpu.memref_slice %arg7[%dma_wait3A_50, %add3A_43] : memref<16x1048576xf32, #tpu.memory_space<hbm>> -> memref<16x1024xf32, #tpu.memory_space<hbm>>
    %dma_wait3A_52 = arith.constant 0 : i32
    %dma_wait3A_53 = arith.constant 0 : i32
    %dma_wait3A_54 = tpu.memref_slice %arg12[%dma_wait3A, %dma_wait3A_52, %dma_wait3A_53] : memref<2x16x1024xf32, #tpu.memory_space<vmem>> -> memref<1x16x1024xf32, #tpu.memory_space<vmem>>
    %dma_wait3A_55 = tpu.memref_squeeze %dma_wait3A_54 : memref<1x16x1024xf32, #tpu.memory_space<vmem>> -> memref<16x1024xf32, #tpu.memory_space<vmem>>
    tpu.wait_dma2 semaphore(%arg18 : memref<!tpu.dma_semaphore, #tpu.memory_space<semaphore_mem>>) src(%dma_wait3A_55 : memref<16x1024xf32, #tpu.memory_space<vmem>>) dst(%dma_wait3A_51 : memref<16x1024xf32, #tpu.memory_space<hbm>>)
    %add3A_56 = arith.constant 31744 : i32
    %add3A_57 = arith.addi %mul3A_2, %add3A_56 : i32
    %dma_wait3A_58 = arith.constant 1 : i32
    %dma_wait3A_59 = arith.constant 0 : i32
    %dma_wait3A_60 = arith.constant 0 : i32
    %dma_wait3A_61 = tpu.memref_slice %arg12[%dma_wait3A_58, %dma_wait3A_59, %dma_wait3A_60] : memref<2x16x1024xf32, #tpu.memory_space<vmem>> -> memref<1x16x1024xf32, #tpu.memory_space<vmem>>
    %dma_wait3A_62 = tpu.memref_squeeze %dma_wait3A_61 : memref<1x16x1024xf32, #tpu.memory_space<vmem>> -> memref<16x1024xf32, #tpu.memory_space<vmem>>
    %dma_wait3A_63 = arith.constant 0 : i32
    %dma_wait3A_64 = tpu.memref_slice %arg7[%dma_wait3A_63, %add3A_57] : memref<16x1048576xf32, #tpu.memory_space<hbm>> -> memref<16x1024xf32, #tpu.memory_space<hbm>>
    %dma_wait3A_65 = arith.constant 0 : i32
    %dma_wait3A_66 = tpu.memref_slice %arg7[%dma_wait3A_65, %add3A_57] : memref<16x1048576xf32, #tpu.memory_space<hbm>> -> memref<16x1024xf32, #tpu.memory_space<hbm>>
    %dma_wait3A_67 = arith.constant 0 : i32
    %dma_wait3A_68 = arith.constant 0 : i32
    %dma_wait3A_69 = tpu.memref_slice %arg12[%dma_wait3A_58, %dma_wait3A_67, %dma_wait3A_68] : memref<2x16x1024xf32, #tpu.memory_space<vmem>> -> memref<1x16x1024xf32, #tpu.memory_space<vmem>>
    %dma_wait3A_70 = tpu.memref_squeeze %dma_wait3A_69 : memref<1x16x1024xf32, #tpu.memory_space<vmem>> -> memref<16x1024xf32, #tpu.memory_space<vmem>>
    tpu.wait_dma2 semaphore(%arg19 : memref<!tpu.dma_semaphore, #tpu.memory_space<semaphore_mem>>) src(%dma_wait3A_70 : memref<16x1024xf32, #tpu.memory_space<vmem>>) dst(%dma_wait3A_66 : memref<16x1024xf32, #tpu.memory_space<hbm>>)
    return
  }
}

</mosaic_0001>

<sc_bundles>
// kernel: _sc_call.3.cloned.1.call-start
scs
__scs_entry_jumppad:
0x0: {  	(pc) =	sbr.rel $0x88, $3  }
0x1: {  	(tag) =	ssettag $0x0;
	lr =	simm.s32 $0x1  }
0x2: {  	[smem:$0x3F9C] =	sst lr;
	_ =	strace $0xD0000000  }
0x3: {  	_ = 	snop  }
0x4: {  	_ = 	snop  }
0x5: {  	_ = 	snop  }
0x6: {  	_ = 	snop  }
0x7: {  	_ = 	snop  }
__scs_overlays_trampoline_lowered:
0x8: {  	[smem:$0x3FAB] =	sst s0  }
0x9: {  	[smem:$0x3FAC] =	sst s1  }
0xa: {  	[smem:$0x3FAD] =	sst s2  }
0xb: {  	[smem:$0x3FAE] =	sst s3  }
0xc: {  	[smem:$0x3FAF] =	sst s4  }
0xd: {  	[smem:$0x3FB0] =	sst s5  }
0xe: {  	[smem:$0x3FB1] =	sst s6  }
0xf: {  	[smem:$0x3FB2] =	sst s7  }
0x10: {  	[smem:$0x3FB3] =	sst s8  }
0x11: {  	[smem:$0x3FB4] =	sst s9;
	s0 =	simm.s32 @!p0 $0x0  }
0x12: {  	s1 =	sld [smem:$0x3F9A];
	s0 =	simm.s32 @p0 $0x1  }
0x13: {  	[smem:$0x3FB5] =	sst s0;
	s0 =	simm.s32 @!p1 $0x0  }
0x14: {  	s2 =	sld [smem:$0x3F99];
	s0 =	simm.s32 @p1 $0x1  }
0x15: {  	[smem:$0x3FB6] =	sst s0;
	s0 =	simm.s32 @!p2 $0x0  }
0x16: {  	s3 =	sld [smem:$0x3FDB];
	s0 =	simm.s32 @p2 $0x1  }
0x17: {  	s4 =	simm.s32 $0x1BF5;
	[smem:$0x3FB8] =	sst s0  }
0x18: {  	s0 =	sld [smem:$0x3F9B];
	_ =	swait.ge [sflag:s4], $0x0  }
0x19: {  	s7 =	sld [smem:$0x3F9C]  }
0x1a: {  	s8 =	sadd.s32 $0xFFFFE003, lr  }
0x1b: {  	s9 =	sadd.s32 $0xFFFFFEF7, lr;
	s5 =	simm.s32 $0xFFFFFFFF;
	p2 =	slt.u32 s8, $0xFFFFF086  }
0x1c: {  	p1 =	slt.u32 s9, $0xF7A;
	s5 =	simm.s32 @!p2 $0x0  }
0x1d: {  	s5 =	simm.s32 @p1 $0x1;
	p0 =	seq.s32 s7, s2  }
0x1e: {  	s7 =	smul.u32 @!p0 $0xF7A, s2;
	p2 =	seq.s32 @!p0 s5, $0x0  }
0x1f: {  	s9 =	smul.u32 $0xF7A, s1;
	s8 =	simm.s32 @!p0 $0x1BF5;
	p2 =	por !p2, p0  }
0x20: {  	[sflag:s8] =	ssyncset.s32 @!p0 $0xFFFFF086;
	s6 =	sadd.s32 @!p0 s3, s7;
	s7 =	simm.s32 @!p0 $0x108  }
0x21: {  	s3 =	sadd.s32 s3, s9;
	s6 =	sadd.s32 @!p0 $0x88, s6;
	s7 =	simm.s32 @p2 $0x1082  }
0x22: {  	[simem:s7], [sflag:s8] =	dma.local @!p0 [hbm:s6], $0xF7A  }
0x23: {  	s9 =	sor.u32 $0xD0000000, s2;
	s6 =	simm.s32 $0x108;
	_ =	swait.ge @!p0 [sflag:s8], $0x0  }
0x24: {  	s3 =	sadd.s32 $0x88, s3;
	s6 =	simm.s32 @!p1 $0x1082;
	[sflag:s4] =	ssyncset.s32 $0xFFFFF086  }
0x25: {  	[simem:s6], [sflag:s4] =	dma.local [hbm:s3], $0xF7A  }
0x26: {  	[smem:$0x3F9C] =	sst s1;
	(tag) =	ssettag s2;
	_ =	strace s9  }
0x27: {  	s1 =	sld [smem:$0x3FAC]  }
0x28: {  	s2 =	sld [smem:$0x3FAD]  }
0x29: {  	s4 =	sld [smem:$0x3FAF]  }
0x2a: {  	p0 =	seq.s32 s5, $0x0;
	s5 =	sld [smem:$0x3FB0]  }
0x2b: {  	s6 =	sld [smem:$0x3FB1]  }
0x2c: {  	s7 =	sld [smem:$0x3FB2]  }
0x2d: {  	s3 =	simm.s32 $0x108;
	s8 =	sld [smem:$0x3FB3]  }
0x2e: {  	s3 =	simm.s32 @!p0 $0x1082;
	s9 =	sld [smem:$0x3FB4]  }
0x2f: {  	lr =	sadd.s32 s0, s3;
	s0 =	sld [smem:$0x3FAB]  }
0x30: {  	s3 =	sld [smem:$0x3FAE]  }
0x31: {  	[smem:$0x3FB7] =	sst s10  }
0x32: {  	s10 =	sld [smem:$0x3FB5];
	_ =	sdelay $0x3  }
0x33: {  	p0 =	seq.s32 s10, $0x1;
	s10 =	sld [smem:$0x3FB7];
	_ =	sdelay $0x3  }
0x34: {  	[smem:$0x3FB7] =	sst s10  }
0x35: {  	s10 =	sld [smem:$0x3FB6];
	_ =	sdelay $0x3  }
0x36: {  	p1 =	seq.s32 s10, $0x1;
	s10 =	sld [smem:$0x3FB7];
	_ =	sdelay $0x3  }
0x37: {  	[smem:$0x3FB7] =	sst s10  }
0x38: {  	s10 =	sld [smem:$0x3FB8]  }
0x39: {  	_ = 	snop;
	(pc) =	sbr.ind lr, $3  }
0x3a: {  	_ = 	snop  }
0x3b: {  	_ = 	snop  }
0x3c: {  	p2 =	seq.s32 s10, $0x1;
	s10 =	sld [smem:$0x3FB7]  }
0x3d: {  	_ =	shalt  }
0x3e: {  	_ =	shalt  }
0x3f: {  	_ =	shalt  }
0x40: {  	_ =	shalt  }
0x41: {  	_ =	shalt  }
0x42: {  	_ =	shalt  }
0x43: {  	_ =	shalt  }
0x44: {  	_ =	shalt  }
0x45: {  	_ =	shalt  }
0x46: {  	_ =	shalt  }
0x47: {  	_ =	shalt  }
0x48: {  	_ =	shalt  }
0x49: {  	_ =	shalt  }
0x4a: {  	_ =	shalt  }
0x4b: {  	_ =	shalt  }
0x4c: {  	_ =	shalt  }
0x4d: {  	_ =	shalt  }
0x4e: {  	_ =	shalt  }
0x4f: {  	_ =	shalt  }
0x50: {  	_ =	shalt  }
0x51: {  	_ =	shalt  }
0x52: {  	_ =	shalt  }
0x53: {  	_ =	shalt  }
0x54: {  	_ =	shalt  }
0x55: {  	_ =	shalt  }
0x56: {  	_ =	shalt  }
0x57: {  	_ =	shalt  }
0x58: {  	_ =	shalt  }
0x59: {  	_ =	shalt  }
0x5a: {  	_ =	shalt  }
0x5b: {  	_ =	shalt  }
0x5c: {  	_ =	shalt  }
0x5d: {  	_ =	shalt  }
0x5e: {  	_ =	shalt  }
0x5f: {  	_ =	shalt  }
0x60: {  	_ =	shalt  }
0x61: {  	_ =	shalt  }
0x62: {  	_ =	shalt  }
0x63: {  	_ =	shalt  }
0x64: {  	_ =	shalt  }
0x65: {  	_ =	shalt  }
0x66: {  	_ =	shalt  }
0x67: {  	_ =	shalt  }
0x68: {  	_ =	shalt  }
0x69: {  	_ =	shalt  }
0x6a: {  	_ =	shalt  }
0x6b: {  	_ =	shalt  }
0x6c: {  	_ =	shalt  }
0x6d: {  	_ =	shalt  }
0x6e: {  	_ =	shalt  }
0x6f: {  	_ =	shalt  }
0x70: {  	_ =	shalt  }
0x71: {  	_ =	shalt  }
0x72: {  	_ =	shalt  }
0x73: {  	_ =	shalt  }
0x74: {  	_ =	shalt  }
0x75: {  	_ =	shalt  }
0x76: {  	_ =	shalt  }
0x77: {  	_ =	shalt  }
0x78: {  	_ =	shalt  }
0x79: {  	_ =	shalt  }
0x7a: {  	_ =	shalt  }
0x7b: {  	_ =	shalt  }
0x7c: {  	_ =	shalt  }
0x7d: {  	_ =	shalt  }
0x7e: {  	_ =	shalt  }
0x7f: {  	_ =	shalt  }
0x80: {  	_ =	shalt  }
0x81: {  	_ =	shalt  }
0x82: {  	_ =	shalt  }
0x83: {  	_ =	shalt  }
0x84: {  	_ =	shalt  }
0x85: {  	_ =	shalt  }
0x86: {  	_ =	shalt  }
0x87: {  	_ =	shalt  }
.Lfunc_end0:
.L_simem_size_0:
called_computation_lowered:
.L_overlay_start_0:
0x88: {  	s2 =	sld [smem:$0x3FD9]  }
0x89: {  	s3 =	sld [smem:$0x3FFE];
	_ =	sdelay $0x1  }
0x8a: {  	s1 =	srdreg.scid  }
0x8b: {  	s0 =	sand.u32 $0x1, s1  }
0x8c: {  	s18 =	sshll.u32 s0, $0xA;
	s2 =	sadd.s32 s3, s2  }
0x8d: {  	s2 =	sadd.s32 s2, s18  }
0x8e: {  	[smem:$0x3FC3] =	sst s2  }
0x8f: {  	_ = 	snop  }
0x90: {  	s2 =	sld [smem:$0x3FC9]  }
0x91: {  	s19 =	sld [smem:$0x3FC8]  }
0x92: {  	s4 =	sld [smem:$0x3FC7]  }
0x93: {  	s5 =	sld [smem:$0x3FC6]  }
0x94: {  	s6 =	sld [smem:$0x3FC5]  }
0x95: {  	s7 =	sld [smem:$0x3FD0];
	(tm) =	ssettm $0x1  }
0x96: {  	s8 =	sld [smem:$0x3FFB];
	_ =	sdelay $0x3  }
0x97: {  	_ =	strace s8  }
0x98: {  	s8 =	sld [smem:$0x3FFC];
	_ =	sdelay $0x3  }
0x99: {  	_ =	strace s8  }
0x9a: {  	s8 =	sld [smem:$0x3FFD];
	_ =	sdelay $0x3  }
0x9b: {  	_ =	strace s8  }
0x9c: {  	_ =	strace $0x8FFFFFFF  }
0x9d: {  	s20 =	sld [smem:$0x3FDB];
	_ =	sdelay $0x1  }
0x9e: {  	s9 =	simm.s32 $_scs_section_size  }
0x9f: {  	s10 =	simm.s32 $_size__tile_overlayer_lowered;
	s11 =	simm.s32 $_tile_overlayer_lowered  }
0xa0: {  	s23 =	simm.s32 $0x1BFF;
	s22 =	sshll.u32 s11, $0x1;
	s8 =	sadd.s32 s9, s20  }
0xa1: {  	s12 =	simm.s32 $0x0;
	s21 =	sshll.u32 s10, $0x1;
	s10 =	sadd.s32 s22, s8  }
0xa2: {  	[timem:s12], [sflag:s23] =	dma.local [hbm:s10], s21  }
0xa3: {  	_ =	swait.ge [sflag:s23], s21  }
0xa4: {  	s9 =	ssub.s32 $0x0, s21;
	[sflag:s23] =	ssyncset.done $0x0  }
0xa5: {  	[sflag:s23] =	ssyncadd.s32 s9;
	_ =	sdelay $0x1  }
0xa6: {  	s24 =	simm.s32 $0x1B8B  }
0xa7: {  	_ =	swait.ge [sflag:s24], $0x1  }
0xa8: {  	[sflag:s24] =	ssyncset.done $0x0  }
0xa9: {  	s25 =	simm.s32 $0x1B8E;
	[sflag:s24] =	ssyncadd.s32 $0xFFFFFFFF  }
0xaa: {  	s26 =	simm.s32 $execute0_lowered;
	[smem:$0x3FD2] =	sst s25  }
0xab: {  	s9 =	sshll.u32 s26, $0x1;
	_ =	strace $0x80000046;
	[dreg:$0x1] =	wrdreg $0xFFFFFFFF  }
0xac: {  	s28 =	simm.s32 $_size_execute0_lowered;
	s8 =	sadd.s32 s8, s9;
	[dreg:$0x0] =	wrdreg $0x0  }
0xad: {  	s9 =	sshll.u32 s28, $0x1;
	[dreg:$0x2] =	wrdreg s8  }
0xae: {  	[dreg:$0x3] =	wrdreg s9  }
0xaf: {  	[dreg:$0x4] =	wrdreg $0xC0  }
0xb0: {  	_ =	task [dreg:s12], $0x5FFFF  }
0xb1: {  	[dreg:$0x1] =	wrdreg $0xFFFFFFFF  }
0xb2: {  	[dreg:$0x0] =	wrdreg $0x60  }
0xb3: {  	[dreg:$0x2] =	wrdreg s2  }
0xb4: {  	[dreg:$0x3] =	wrdreg s19  }
0xb5: {  	[dreg:$0x4] =	wrdreg s4  }
0xb6: {  	[dreg:$0x5] =	wrdreg s5  }
0xb7: {  	[dreg:$0x6] =	wrdreg s6  }
0xb8: {  	[dreg:$0x7] =	wrdreg s7  }
0xb9: {  	[dreg:$0x8] =	wrdreg $0x9  }
0xba: {  	_ =	task.clear_ibuf [dreg:s12], $0x9FFFF;
	_ =	strace $0x90000046  }
0xbb: {  	s29 =	simm.s32 $0x9;
	_ =	strace $0x80000048  }
0xbc: {  	_ =	swait.ge [sflag:s29], $0x1  }
0xbd: {  	[sflag:s29] =	ssyncadd.s32 $0xFFFFFFFF  }
0xbe: {  	_ =	strace $0x90000048  }
0xbf: {  	_ =	sfence  }
0xc0: {  	s30 =	sld [smem:$0x0];
	_ =	sdelay $0x2  }
0xc1: {  	s31 =	sshll.u32 s1, $0xD;
	s1 =	sshrl.u32 s1, $0x2  }
0xc2: {  	s3 =	sand.u32 $0x4000, s31;
	s1 =	sadd.s32 s1, s30  }
0xc3: {  	s0 =	sor.u32 s3, s0;
	s1 =	sshll.u32 s1, $0x11  }
0xc4: {  	s0 =	sor.u32 s1, s0  }
0xc5: {  	s0 =	sadd.s32 $0x8F2B, s0  }
0xc6: {  	[sflag:s0] =	ssyncadd.remote.s32 $0x1  }
0xc7: {  	_ =	sfence.sel $0xFFFF  }
0xc8: {  	[dreg:$0x0] =	wrdreg $0xFFFFFFFF;
	(pc) =	sbr.abs _section_cstart, $3  }
0xc9: {  	[dreg:$0x1] =	wrdreg $0xFFFFFFFF  }
0xca: {  	_ =	task.clear_ibuf [dreg:s12], $0x2FFFF;
	_ =	strace $0x9FFFFFFF  }
0xcb: {  	(tm) =	ssettm $0x7FFFFFFF  }
tec
execute0_lowered:
.L_overlay_start_1:
0x0: {  	(tag) =	ssettag $0x1  }
0x1: {  	s0 =	rddreg [dreg:$0x0]  }
0x2: {  	s1 =	rddreg [dreg:$0x1]  }
0x3: {  	s3 =	rddreg [dreg:$0x2]  }
0x4: {  	s2 =	rddreg [dreg:$0x4]  }
0x5: {  	s7 =	rddreg [dreg:$0x5];
	s5 =	srdreg.scid  }
0x6: {  	s4 =	simm.s32 $0x0;
	s11 =	stileid.u32;
	s19 =	simm.s32 $0x8600  }
0x7: {  	s20 =	simm.s32 $0x8E00;
	s21 =	simm.s32 $0x9600;
	s22 =	simm.s32 $0x9E00  }
0x8: {  	s23 =	simm.s32 $0xA600;
	s24 =	simm.s32 $0xAE00;
	s25 =	simm.s32 $0xB600  }
0x9: {  	s26 =	simm.s32 $0xBE00;
	s28 =	simm.s32 $0x3;
	s29 =	simm.s32 $0x2  }
0xa: {  	s30 =	simm.s32 $0x4;
	s31 =	simm.s32 $0x5;
	s8 =	sand.u32 $0x1, s5  }
0xb: {  	[smem:$0x7FF] =	sst s4;
	s6 =	sshll.u32 s11, $0x1;
	s11 =	sshll.u32 s11, $0x10  }
0xc: {  	s5 =	ssub.s32 $0x2, s8;
	_ =	strace $0x80000047;
	[dreg:$0x8] =	wrdreg s19  }
0xd: {  	s6 =	sor.u32 s8, s6;
	s16 =	sadd.s32 s11, s7;
	[dreg:$0x9] =	wrdreg s20  }
0xe: {  	s17 =	sshll.u32 s8, $0xF;
	s7 =	sadd.s32 $0x100, s2;
	[dreg:$0xa] =	wrdreg s21  }
0xf: {  	s18 =	sadd.s32 s11, s3;
	s11 =	simm.s32 $0x7;
	[dreg:$0xb] =	wrdreg s22  }
0x10: {  	s19 =	simm.s32 $0x6E00;
	s20 =	simm.s32 $0x7600;
	[dreg:$0xc] =	wrdreg s23  }
0x11: {  	s21 =	simm.s32 $0x7E00;
	s22 =	simm.s32 $0x2000;
	[dreg:$0xd] =	wrdreg s24  }
0x12: {  	s23 =	simm.s32 $0x800000;
	s24 =	simm.s32 $0xC600;
	[dreg:$0xe] =	wrdreg s25  }
0x13: {  	[dreg:$0xf] =	wrdreg s26;
	s25 =	simm.s32 $0x10600;
	s26 =	simm.s32 $0x1  }
0x14: {  	s9 =	sshrl.u32 s5, $0x1;
	s10 =	sshll.u32 s6, $0xF;
	s14 =	sshll.u32 s6, $0x7  }
0x15: {  	s15 =	sshll.u32 s6, $0xB;
	s9 =	ssub.s32 s5, s9;
	s5 =	sadd.s32 s0, s14  }
0x16: {  	v2 =	vlaneseq.u32;
	s6 =	sadd.s32 s1, s15;
	s8 =	sadd.s32 s3, s10;
	s0 =	sadd.s32 s17, s16  }
0x17: {  	vm0 =	vmmov $0xffff;
	v1 =	vshrl.u32 v2, $0x3;
	s10 =	sadd.s32 s17, s18;
	s18 =	simm.s32 $0x6600;
	s3 =	simm.s32 $0x0  }
0x18: {  	v0 =	vand.u32 $0x7, v2;
	v2 =	vor.u32 $0x8, v2;
	v1 =	vmul.u32 $0x8, v1;
	s9 =	smax.u32 s9, $0x1;
	[dreg:$0x7] =	wrdreg s0;
	s0 =	simm.s32 $0x6  }
.LBB2_1:
0x19: {  	[tilespmem:s4], [sflag:$0x7] =	stream.linear.gather [hbm4b:s5+s4], $0x400, $0x38;
	[tilespmem:$0x14600] =	vst v63  }
0x1a: {  	_ =	swait.ge [sflag:s11], $0x400  }
0x1b: {  	[sflag:s11] =	ssyncset.done $0x0  }
0x1c: {  	s1 =	simm.s32 $0x400;
	[sflag:s11] =	ssyncadd.s32 $0xFFFFFC00  }
0x1d: {  	[tilespmem:s1], [sflag:$0x7] =	stream.linear.gather [hbm4b:s6+s4], $0x4000, $0x38;
	[tilespmem:$0x14600] =	vst v63  }
0x1e: {  	_ =	swait.ge [sflag:s11], $0x4000  }
0x1f: {  	[sflag:s11] =	ssyncset.done $0x0  }
0x20: {  	[sflag:s11] =	ssyncadd.s32 $0xFFFFC000  }
0x21: {  	s12 =	simm.s32 $0x4400;
	s13 =	rddreg [dreg:$0x3]  }
0x22: {  	[tilespmem:s12], [sflag:$0x7] =	stream.linear.gather [hbm4b:s13+s4], $0x200, $0x38;
	[tilespmem:$0x14600] =	vst v63  }
0x23: {  	_ =	swait.ge [sflag:s11], $0x200  }
0x24: {  	[sflag:s11] =	ssyncset.done $0x0  }
0x25: {  	[sflag:s11] =	ssyncadd.s32 $0xFFFFFE00  }
0x26: {  	v3 =	vld [tilespmem:$0x0];
	_ =	sdelay $0x4  }
0x27: {  	v4 =	vshll.u32 v3, $0x2  }
0x28: {  	v3 =	vand.u32 $0x7, v3;
	v4 =	vand.u32 $0xFFFFFFE0, v4  }
0x29: {  	v3 =	vor.u32 v3, v4  }
0x2a: {  	v4 =	vperm.xlane v3, v0;
	_ =	sdelay $0x1  }
0x2b: {  	v4 =	vadd.s32 v1, v4;
	_ =	sdelay $0x1  }
0x2c: {  	v3 =	vperm.xlane v3, v2;
	_ =	sdelay $0x1  }
0x2d: {  	s14 =	simm.s32 $0x4600;
	v3 =	vadd.s32 v1, v3  }
0x2e: {  	[tilespmem:s14], [sflag:$0x1] =	stream.indirect_vreg.gather [hbm4b:s2+s4], $0x80, v4, vm0, $0xb8;
	[tilespmem:$0x14600] =	vst v63  }
0x2f: {  	s15 =	simm.s32 $0x4E00  }
0x30: {  	[tilespmem:s15], [sflag:$0x1] =	stream.indirect_vreg.gather [hbm4b:s7+s4], $0x80, v4, vm0, $0xb8;
	[tilespmem:$0x14600] =	vst v63  }
0x31: {  	s16 =	simm.s32 $0x5600  }
0x32: {  	[tilespmem:s16], [sflag:$0x1] =	stream.indirect_vreg.gather [hbm4b:s2+s4], $0x80, v3, vm0, $0xb8;
	[tilespmem:$0x14600] =	vst v63  }
0x33: {  	s17 =	simm.s32 $0x5E00  }
0x34: {  	[tilespmem:s17], [sflag:$0x1] =	stream.indirect_vreg.gather [hbm4b:s7+s4], $0x80, v3, vm0, $0xb8;
	[tilespmem:$0x14600] =	vst v63  }
0x35: {  	v3 =	vld [tilespmem:$0x10];
	_ =	sdelay $0x4  }
0x36: {  	v63 =	vshll.u32 v3, $0x2  }
0x37: {  	v3 =	vand.u32 $0x7, v3;
	v4 =	vand.u32 $0xFFFFFFE0, v63  }
0x38: {  	v3 =	vor.u32 v3, v4  }
0x39: {  	v4 =	vperm.xlane v3, v0;
	_ =	sdelay $0x1  }
0x3a: {  	v4 =	vadd.s32 v1, v4;
	_ =	sdelay $0x1  }
0x3b: {  	v3 =	vperm.xlane v3, v2;
	_ =	sdelay $0x1  }
0x3c: {  	v3 =	vadd.s32 v1, v3  }
0x3d: {  	[tilespmem:s18], [sflag:$0x1] =	stream.indirect_vreg.gather [hbm4b:s2+s4], $0x80, v4, vm0, $0xb8;
	[tilespmem:$0x14600] =	vst v63  }
0x3e: {  	_ = 	snop  }
0x3f: {  	[tilespmem:s19], [sflag:$0x1] =	stream.indirect_vreg.gather [hbm4b:s7+s4], $0x80, v4, vm0, $0xb8;
	[tilespmem:$0x14600] =	vst v63  }
0x40: {  	_ = 	snop  }
0x41: {  	[tilespmem:s20], [sflag:$0x1] =	stream.indirect_vreg.gather [hbm4b:s2+s4], $0x80, v3, vm0, $0xb8;
	[tilespmem:$0x14600] =	vst v63  }
0x42: {  	_ = 	snop  }
0x43: {  	[tilespmem:s21], [sflag:$0x1] =	stream.indirect_vreg.gather [hbm4b:s7+s4], $0x80, v3, vm0, $0xb8;
	[tilespmem:$0x14600] =	vst v63  }
0x44: {  	s1 =	simm.s32 $0x50;
	s12 =	simm.s32 $0x0  }
0x45: {  	[tilespmem:s24], [sflag:$0x3] =	stream.strided.gather [hbm4b:s8+s22], $0x4000, s23, s22, $0x38;
	[tilespmem:$0x14600] =	vst v63  }
.LBB2_2:
0x46: {  	v3 =	vld [tilespmem:s1+$0xFFFFFFD0];
	_ =	sdelay $0x4  }
0x47: {  	v4 =	vshll.u32 v3, $0x2  }
0x48: {  	v3 =	vand.u32 $0x7, v3;
	v4 =	vand.u32 $0xFFFFFFE0, v4  }
0x49: {  	v3 =	vor.u32 v3, v4  }
0x4a: {  	v4 =	vperm.xlane v3, v0;
	_ =	sdelay $0x1  }
0x4b: {  	v4 =	vadd.s32 v1, v4;
	_ =	sdelay $0x1  }
0x4c: {  	v3 =	vperm.xlane v3, v2;
	_ =	sdelay $0x1  }
0x4d: {  	s13 =	rddreg [dreg:$0x8];
	v3 =	vadd.s32 v1, v3  }
0x4e: {  	[tilespmem:s13], [sflag:$0x2] =	stream.indirect_vreg.gather [hbm4b:s2+s4], $0x80, v4, vm0, $0xb8;
	[tilespmem:$0x14600] =	vst v63  }
0x4f: {  	s14 =	rddreg [dreg:$0x9]  }
0x50: {  	[tilespmem:s14], [sflag:$0x2] =	stream.indirect_vreg.gather [hbm4b:s7+s4], $0x80, v4, vm0, $0xb8;
	[tilespmem:$0x14600] =	vst v63  }
0x51: {  	s16 =	rddreg [dreg:$0xa]  }
0x52: {  	[tilespmem:s16], [sflag:$0x2] =	stream.indirect_vreg.gather [hbm4b:s2+s4], $0x80, v3, vm0, $0xb8;
	[tilespmem:$0x14600] =	vst v63  }
0x53: {  	s17 =	rddreg [dreg:$0xb]  }
0x54: {  	[tilespmem:s17], [sflag:$0x2] =	stream.indirect_vreg.gather [hbm4b:s7+s4], $0x80, v3, vm0, $0xb8;
	[tilespmem:$0x14600] =	vst v63  }
0x55: {  	v3 =	vld [tilespmem:s1+$0xFFFFFFE0];
	_ =	sdelay $0x4  }
0x56: {  	v63 =	vshll.u32 v3, $0x2  }
0x57: {  	v3 =	vand.u32 $0x7, v3;
	v4 =	vand.u32 $0xFFFFFFE0, v63  }
0x58: {  	v3 =	vor.u32 v3, v4  }
0x59: {  	v4 =	vperm.xlane v3, v0;
	_ =	sdelay $0x1  }
0x5a: {  	v4 =	vadd.s32 v1, v4;
	_ =	sdelay $0x1  }
0x5b: {  	v3 =	vperm.xlane v3, v2;
	_ =	sdelay $0x1  }
0x5c: {  	s15 =	rddreg [dreg:$0xc];
	v3 =	vadd.s32 v1, v3  }
0x5d: {  	[tilespmem:s15], [sflag:$0x2] =	stream.indirect_vreg.gather [hbm4b:s2+s4], $0x80, v4, vm0, $0xb8;
	[tilespmem:$0x14600] =	vst v63  }
0x5e: {  	s16 =	rddreg [dreg:$0xd]  }
0x5f: {  	[tilespmem:s16], [sflag:$0x2] =	stream.indirect_vreg.gather [hbm4b:s7+s4], $0x80, v4, vm0, $0xb8;
	[tilespmem:$0x14600] =	vst v63  }
0x60: {  	s17 =	rddreg [dreg:$0xe]  }
0x61: {  	[tilespmem:s17], [sflag:$0x2] =	stream.indirect_vreg.gather [hbm4b:s2+s4], $0x80, v3, vm0, $0xb8;
	[tilespmem:$0x14600] =	vst v63  }
0x62: {  	s15 =	rddreg [dreg:$0xf];
	s16 =	sadd.s32 s12, s10  }
0x63: {  	[tilespmem:s15], [sflag:$0x2] =	stream.indirect_vreg.gather [hbm4b:s7+s4], $0x80, v3, vm0, $0xb8;
	[tilespmem:$0x14600] =	vst v63  }
0x64: {  	s13 =	sadd.s32 $0x400, s16  }
0x65: {  	[tilespmem:s25], [sflag:$0x4] =	stream.strided.gather [hbm4b:s13+s22], $0x4000, s23, s22, $0x38;
	[tilespmem:$0x14600] =	vst v63  }
0x66: {  	_ =	swait.ge [sflag:s26], $0x4000  }
0x67: {  	[sflag:s26] =	ssyncset.done $0x0  }
0x68: {  	[sflag:s26] =	ssyncadd.s32 $0xFFFFC000  }
0x69: {  	_ =	swait.ge [sflag:s28], $0x4000  }
0x6a: {  	p0 =	seq.s32 s12, $0x0;
	[sflag:s28] =	ssyncset.done $0x0  }
0x6b: {  	s13 =	simm.s32 @!p0 $0x5;
	[sflag:s28] =	ssyncadd.s32 $0xFFFFC000  }
0x6c: {  	_ =	swait.ge @!p0 [sflag:s13], $0x4000  }
0x6d: {  	s17 =	rddreg [dreg:$0x7];
	[sflag:s13] =	ssyncset.done @!p0 $0x0  }
0x6e: {  	p1 =	seq.s32 s12, $0x7800;
	[sflag:s13] =	ssyncadd.s32 @!p0 $0xFFFFC000;
	s13 =	sadd.s32 s12, s17  }
0x6f: {  	[hbm4b:s13+s22] =	stream.strided.scatter [tilespmem:s24], [sflag:$0x5], $0x4000, s23, s22, $0x38;
	[tilespmem:$0x14600] =	vst v63  }
0x70: {  	v3 =	vld @!p1 [tilespmem:s1+$0xFFFFFFF0];
	_ =	sdelay $0x4  }
0x71: {  	v4 =	vshll.u32 @!p1 v3, $0x2  }
0x72: {  	v5 =	vlaneseq.u32 @!p1;
	v3 =	vand.u32 @!p1 $0x7, v3;
	v4 =	vand.u32 @!p1 $0xFFFFFFE0, v4  }
0x73: {  	v6 =	vshrl.u32 @!p1 v5, $0x3;
	v3 =	vor.u32 @!p1 v3, v4;
	v4 =	vand.u32 @!p1 $0x7, v5  }
0x74: {  	v6 =	vmul.u32 @!p1 $0x8, v6;
	v7 =	vperm.xlane @!p1 v3, v4;
	_ =	sdelay $0x1  }
0x75: {  	v7 =	vadd.s32 @!p1 v6, v7  }
0x76: {  	v5 =	vor.u32 @!p1 $0x8, v5  }
0x77: {  	v3 =	vperm.xlane @!p1 v3, v5;
	_ =	sdelay $0x1  }
0x78: {  	vm1 =	vmmov @!p1 $0xffff;
	s14 =	simm.s32 @!p1 $0x0;
	s15 =	simm.s32 @!p1 $0x4600;
	v3 =	vadd.s32 @!p1 v6, v3  }
0x79: {  	[tilespmem:s15], [sflag:$0x1] =	stream.indirect_vreg.gather @!p1 [hbm4b:s2+s14], $0x80, v7, vm1, $0xb8;
	[tilespmem:$0x14600] =	vst v63  }
0x7a: {  	s15 =	simm.s32 @!p1 $0x4E00  }
0x7b: {  	[tilespmem:s15], [sflag:$0x1] =	stream.indirect_vreg.gather @!p1 [hbm4b:s7+s14], $0x80, v7, vm1, $0xb8;
	[tilespmem:$0x14600] =	vst v63  }
0x7c: {  	s15 =	simm.s32 @!p1 $0x5600  }
0x7d: {  	[tilespmem:s15], [sflag:$0x1] =	stream.indirect_vreg.gather @!p1 [hbm4b:s2+s14], $0x80, v3, vm1, $0xb8;
	[tilespmem:$0x14600] =	vst v63  }
0x7e: {  	s15 =	simm.s32 @!p1 $0x5E00  }
0x7f: {  	[tilespmem:s15], [sflag:$0x1] =	stream.indirect_vreg.gather @!p1 [hbm4b:s7+s14], $0x80, v3, vm1, $0xb8;
	[tilespmem:$0x14600] =	vst v63  }
0x80: {  	v3 =	vld @!p1 [tilespmem:s1+$0x0];
	_ =	sdelay $0x4  }
0x81: {  	v7 =	vshll.u32 @!p1 v3, $0x2  }
0x82: {  	v3 =	vand.u32 @!p1 $0x7, v3;
	v7 =	vand.u32 @!p1 $0xFFFFFFE0, v7  }
0x83: {  	v3 =	vor.u32 @!p1 v3, v7  }
0x84: {  	v4 =	vperm.xlane @!p1 v3, v4;
	_ =	sdelay $0x1  }
0x85: {  	v4 =	vadd.s32 @!p1 v6, v4;
	_ =	sdelay $0x1  }
0x86: {  	v3 =	vperm.xlane @!p1 v3, v5;
	_ =	sdelay $0x1  }
0x87: {  	s15 =	simm.s32 @!p1 $0x6600;
	v3 =	vadd.s32 @!p1 v6, v3  }
0x88: {  	[tilespmem:s15], [sflag:$0x1] =	stream.indirect_vreg.gather @!p1 [hbm4b:s2+s14], $0x80, v4, vm1, $0xb8;
	[tilespmem:$0x14600] =	vst v63  }
0x89: {  	s15 =	simm.s32 @!p1 $0x6E00  }
0x8a: {  	[tilespmem:s15], [sflag:$0x1] =	stream.indirect_vreg.gather @!p1 [hbm4b:s7+s14], $0x80, v4, vm1, $0xb8;
	[tilespmem:$0x14600] =	vst v63  }
0x8b: {  	s15 =	simm.s32 @!p1 $0x7600  }
0x8c: {  	[tilespmem:s15], [sflag:$0x1] =	stream.indirect_vreg.gather @!p1 [hbm4b:s2+s14], $0x80, v3, vm1, $0xb8;
	[tilespmem:$0x14600] =	vst v63  }
0x8d: {  	s15 =	simm.s32 @!p1 $0x7E00  }
0x8e: {  	[tilespmem:s15], [sflag:$0x1] =	stream.indirect_vreg.gather @!p1 [hbm4b:s7+s14], $0x80, v3, vm1, $0xb8;
	[tilespmem:$0x14600] =	vst v63  }
0x8f: {  	s16 =	simm.s32 @!p1 $0x800000;
	s14 =	sadd.s32 @!p1 s12, s10  }
0x90: {  	s17 =	simm.s32 @!p1 $0xC600;
	s15 =	simm.s32 @!p1 $0x2000;
	s14 =	sadd.s32 @!p1 $0x800, s14  }
0x91: {  	[tilespmem:s17], [sflag:$0x3] =	stream.strided.gather @!p1 [hbm4b:s14+s15], $0x4000, s16, s15, $0x38;
	[tilespmem:$0x14600] =	vst v63  }
0x92: {  	_ =	swait.ge [sflag:s29], $0x4000  }
0x93: {  	[sflag:s29] =	ssyncset.done $0x0  }
0x94: {  	[sflag:s29] =	ssyncadd.s32 $0xFFFFC000  }
0x95: {  	_ =	swait.ge [sflag:s30], $0x4000  }
0x96: {  	[sflag:s30] =	ssyncset.done $0x0  }
0x97: {  	s14 =	simm.s32 @!p0 $0x6;
	[sflag:s30] =	ssyncadd.s32 $0xFFFFC000  }
0x98: {  	_ =	swait.ge @!p0 [sflag:s14], $0x4000  }
0x99: {  	s12 =	sadd.s32 $0x800, s12;
	[sflag:s14] =	ssyncset.done @!p0 $0x0  }
0x9a: {  	[sflag:s14] =	ssyncadd.s32 @!p0 $0xFFFFC000;
	p0 =	sne.s32 s12, $0x8000  }
.Ltmp0:
0x9b: {  	_ = 	snop;
	(pc) =	sbr.rel @p0 .LBB2_2-.Ltmp0, $3  }
0x9c: {  	_ =	sdelay $0x1  }
0x9d: {  	s13 =	sadd.s32 $0x400, s13;
	s1 =	sadd.s32 $0x40, s1  }
0x9e: {  	[hbm4b:s13+s22] =	stream.strided.scatter [tilespmem:s25], [sflag:$0x6], $0x4000, s23, s22, $0x38;
	[tilespmem:$0x14600] =	vst v63  }
0x9f: {  	s3 =	sadd.s32 $0x1, s3  }
0xa0: {  	_ =	swait.ge [sflag:s31], $0x4000;
	p0 =	sne.s32 s3, s9  }
.Ltmp1:
0xa1: {  	[sflag:s31] =	ssyncset.done $0x0;
	(pc) =	sbr.rel @p0 .LBB2_1-.Ltmp1, $4  }
0xa2: {  	[sflag:s31] =	ssyncadd.s32 $0xFFFFC000  }
0xa3: {  	_ =	swait.ge [sflag:s0], $0x4000  }
0xa4: {  	[sflag:s0] =	ssyncset.done $0x0  }
0xa5: {  	[sflag:s0] =	ssyncadd.s32 $0xFFFFC000  }
0xa6: {  	_ =	sfence.sel $0x180000  }
0xa7: {  	[bflag:$0x0] =	sbarrier.arrive $0xFFFF  }
0xa8: {  	_ =	strace $0x90000047  }
0xa9: {  	s0 =	stileid.u32;
	[bflag:$0x2] =	sbarrier.arrive $0xFFFF  }
0xaa: {  	p0 =	sne.s32 s0, $0x0;
	s0 =	rddreg [dreg:$0x6]  }
0xab: {  	s0 =	sadd.s32 @!p0 $0x100000, s0  }
0xac: {  	[sflag:s0] =	ssyncadd.tile.s32 @!p0 $0x1;
	_ =	shalt  }
.Lfunc_end2:
_tile_overlayer_lowered:
.L_overlay_start_2:
0xad: {  	(tag) =	ssettag $0x2  }
0xae: {  	s0 =	rddreg [dreg:$0x0];
	s2 =	stileid.u32  }
0xaf: {  	s1 =	rddreg [dreg:$0x1];
	p0 =	sne.s32 s2, $0x0  }
0xb0: {  	s3 =	rddreg [dreg:$0x2];
	[bflag:$0x3] =	sbarrier.arrive $0xFFFF;
	s2 =	simm.s32 @!p0 $0x1C07  }
0xb1: {  	[timem:s3], [sflag:s2] =	dma.local @!p0 [hbm:s0], s1  }
0xb2: {  	s0 =	simm.s32 @!p0 $0x7  }
0xb3: {  	_ =	swait.ge @!p0 [sflag:s0], s1  }
0xb4: {  	s1 =	ssub.s32 @!p0 $0x0, s1;
	[sflag:s0] =	ssyncset.done @!p0 $0x0  }
0xb5: {  	[sflag:s0] =	ssyncadd.s32 @!p0 s1  }
0xb6: {  	[bflag:$0x3] =	sbarrier.arrive $0xFFFF  }
0xb7: {  	_ =	shalt  }

</sc_bundles>
